<compile_context>
chip_gen: v7x
topology: tpu7x:2x2x1
jax: 0.10.2.dev20260603
libtpu: 0.0.44.dev20260713+nightly
codegen_flags: <defaults>
</compile_context>

<pallas_src>
import functools

import jax
import jax.numpy as jnp
from jax import lax
from jax.experimental import pallas as pl
from jax.experimental.pallas import tpu as pltpu
from jax.experimental.pallas import tpu_sc as plsc

_NC = 2
_NS = 16
_L = 16
_NW = _NC * _NS
_CHUNK = 128
_CW = 65536


def _dense_scores(tableT, wcb):
    D, V = tableT.shape

    def body(t_ref, w_ref, s_ref):
        x = t_ref[...]
        w = w_ref[:, 0:1]
        s_ref[...] = jnp.sum(x * w, axis=0)

    return pl.pallas_call(
        body,
        grid=(pl.cdiv(V, _CW),),
        compiler_params=pltpu.CompilerParams(
            dimension_semantics=("parallel",)),
        in_specs=[
            pl.BlockSpec((D, _CW), lambda i: (0, i)),
            pl.BlockSpec((D, 128), lambda i: (0, 0)),
        ],
        out_specs=pl.BlockSpec((_CW,), lambda i: (i,)),
        out_shape=jax.ShapeDtypeStruct((V,), jnp.float32),
    )(tableT, wcb)


@functools.lru_cache(maxsize=None)
def _build_pick(B, V):
    assert B % (_NW * _CHUNK) == 0
    bpw = B // _NW
    nch = bpw // _CHUNK

    mesh = plsc.VectorSubcoreMesh(core_axis_name="c", subcore_axis_name="s")

    @functools.partial(
        pl.kernel,
        mesh=mesh,
        compiler_params=pltpu.CompilerParams(
            needs_layout_passes=False, use_tc_tiling_on_sc=False),
        out_type=jax.ShapeDtypeStruct((B,), jnp.float32),
        scratch_types=[
            pltpu.VMEM((nch, _CHUNK), jnp.int32),
            pltpu.VMEM((bpw,), jnp.float32),
            pltpu.VMEM((_L,), jnp.float32),
            pltpu.SemaphoreType.DMA,
        ],
    )
    def pick(idx_hbm, bias_hbm, s_hbm, out_hbm, idx_v, val_v, bias_v, sem):
        wid = lax.axis_index("s") * _NC + lax.axis_index("c")
        base = wid * bpw
        pltpu.sync_copy(idx_hbm.at[wid], idx_v)
        pltpu.sync_copy(bias_hbm, bias_v)
        copies = [
            pltpu.async_copy(
                s_hbm.at[idx_v.at[j]],
                val_v.at[pl.ds(j * _CHUNK, _CHUNK)], sem)
            for j in range(nch)
        ]
        for h in copies:
            h.wait()
        bias = bias_v[...]
        for j in range(bpw // _L):
            o = j * _L
            val_v[pl.ds(o, _L)] = val_v[pl.ds(o, _L)] + bias
        pltpu.sync_copy(val_v, out_hbm.at[pl.ds(base, bpw)])

    return pick


def kernel(x_movie, x_user, movie_table, fc_w, fc_b):
    B = x_movie.shape[0]
    V, D = movie_table.shape
    wc = fc_w[0, :D] + fc_w[0, D:]
    wcb = jnp.broadcast_to(wc[:, None], (D, 128))
    bias = jnp.broadcast_to(fc_b, (_L,)).astype(jnp.float32)
    idx = x_movie.astype(jnp.int32).reshape(_NW, B // (_NW * _CHUNK), _CHUNK)
    s = _dense_scores(movie_table.T, wcb)
    out = _build_pick(B, V)(idx, bias, s)
    return out.reshape(B, 1)

# --- scband reference (transcript-rebuilt; emitter-appended) ---
"""Pipeline reference for scband-rec-sys-model-48576080118720 (READ-ONLY COPY).

The authoritative reference and input builder live on the scoring server;
editing this copy changes nothing except your own understanding.
"""

import jax, jax.numpy as jnp
import numpy as np

VOCAB_USERS = 1000000
VOCAB_MOVIES = 1000000
NUM_E = 32
BATCH = 16384

def setup_inputs(seed: int = 0) -> dict:
    key = jax.random.key(seed)
    k1, k2, k3, k4, k5 = jax.random.split(key, 5)
    x_movie = jax.random.randint(k1, (BATCH,), 0, VOCAB_USERS, dtype=jnp.int64 if jax.config.jax_enable_x64 else jnp.int32)
    x_user = jax.random.randint(k2, (BATCH,), 0, VOCAB_MOVIES, dtype=jnp.int64 if jax.config.jax_enable_x64 else jnp.int32)
    # movie_embeddings table: nn.Embedding(vocab_users, num_e)
    movie_table = jax.random.normal(k3, (VOCAB_USERS, NUM_E), dtype=jnp.float32)
    # fc_1: Linear(2*num_e, 1)
    bound = 1.0 / np.sqrt(2 * NUM_E)
    fc_w = jax.random.uniform(k4, (1, 2 * NUM_E), minval=-bound, maxval=bound, dtype=jnp.float32)
    fc_b = jax.random.uniform(k5, (1,), minval=-bound, maxval=bound, dtype=jnp.float32)
    return {"x_movie": x_movie, "x_user": x_user, "movie_table": movie_table, "fc_w": fc_w, "fc_b": fc_b}

def reference(x_movie, x_user, movie_table, fc_w, fc_b):
    # Faithful to the original (including the bug: both embeddings come from
    # movie_embeddings indexed by x_movie; x_user is unused).
    m_emd = jnp.take(movie_table, x_movie, axis=0)
    u_emd = jnp.take(movie_table, x_movie, axis=0)
    x = jnp.concatenate([m_emd, u_emd], axis=1)
    out = x @ fc_w.T + fc_b
    return out

if __name__ == "__main__":
    import jax
    _d = setup_inputs()
    print(jax.jit(kernel)(*tuple(_d.values())))

</pallas_src>

<mosaic_0001>
#map = affine_map<(d0, d1) -> (0, 0, 0)>
#map1 = affine_map<(d0, d1) -> (0)>
module attributes {stable_mosaic.version = 14 : i64} {
  func.func @pick(%arg0: i32, %arg1: i32, %arg2: memref<32x4x128xi32, #tpu.memory_space<hbm>>, %arg3: memref<16xf32, #tpu.memory_space<hbm>>, %arg4: memref<1000000xf32, #tpu.memory_space<hbm>>, %arg5: memref<16384xf32, #tpu.memory_space<hbm>>, %arg6: memref<4x128xi32, #tpu.memory_space<vmem>>, %arg7: memref<512xf32, #tpu.memory_space<vmem>>, %arg8: memref<16xf32, #tpu.memory_space<vmem>>, %arg9: memref<!tpu.dma_semaphore, #tpu.memory_space<semaphore_mem>>) attributes {dimension_semantics = [#tpu.dimension_semantics<core_parallel>, #tpu.dimension_semantics<subcore_parallel>], iteration_bounds = array<i64: 2, 16>, scalar_prefetch = 0 : i64, scratch_operands = 4 : i64, tpu.core_type = #tpu.core_type<sc_vector_subcore>, window_params = [{transform_indices = #map}, {transform_indices = #map1}, {transform_indices = #map1}, {transform_indices = #map1}]} {
    %mul3A = arith.constant 2 : i32
    %mul3A_0 = arith.muli %arg1, %mul3A : i32
    %add3A = arith.addi %mul3A_0, %arg0 : i32
    %mul3A_1 = arith.constant 512 : i32
    %mul3A_2 = arith.muli %add3A, %mul3A_1 : i32
    "tpu.region"() ({
      %run_scoped3A = tpu.sem_alloc : memref<!tpu.dma_semaphore, #tpu.memory_space<semaphore_mem>>
      %dma_start3A_225 = arith.constant 0 : i32
      %dma_start3A_226 = arith.constant 0 : i32
      %dma_start3A_227 = tpu.memref_slice %arg2[%add3A, %dma_start3A_225, %dma_start3A_226] : memref<32x4x128xi32, #tpu.memory_space<hbm>> -> memref<1x4x128xi32, #tpu.memory_space<hbm>>
      %dma_start3A_228 = tpu.memref_squeeze %dma_start3A_227 : memref<1x4x128xi32, #tpu.memory_space<hbm>> -> memref<4x128xi32, #tpu.memory_space<hbm>>
      %dma_start3A_229 = arith.constant 0 : i32
      %dma_start3A_230 = arith.constant 0 : i32
      %dma_start3A_231 = tpu.memref_slice %arg2[%add3A, %dma_start3A_229, %dma_start3A_230] : memref<32x4x128xi32, #tpu.memory_space<hbm>> -> memref<1x4x128xi32, #tpu.memory_space<hbm>>
      %dma_start3A_232 = tpu.memref_squeeze %dma_start3A_231 : memref<1x4x128xi32, #tpu.memory_space<hbm>> -> memref<4x128xi32, #tpu.memory_space<hbm>>
      tpu.enqueue_dma source(%dma_start3A_232 : memref<4x128xi32, #tpu.memory_space<hbm>>) target(%arg6 : memref<4x128xi32, #tpu.memory_space<vmem>>) target_semaphore(%run_scoped3A : memref<!tpu.dma_semaphore, #tpu.memory_space<semaphore_mem>>)
      %dma_wait3A_233 = arith.constant 0 : i32
      %dma_wait3A_234 = arith.constant 0 : i32
      %dma_wait3A_235 = tpu.memref_slice %arg2[%add3A, %dma_wait3A_233, %dma_wait3A_234] : memref<32x4x128xi32, #tpu.memory_space<hbm>> -> memref<1x4x128xi32, #tpu.memory_space<hbm>>
      %dma_wait3A_236 = tpu.memref_squeeze %dma_wait3A_235 : memref<1x4x128xi32, #tpu.memory_space<hbm>> -> memref<4x128xi32, #tpu.memory_space<hbm>>
      %dma_wait3A_237 = arith.constant 0 : i32
      %dma_wait3A_238 = arith.constant 0 : i32
      %dma_wait3A_239 = tpu.memref_slice %arg2[%add3A, %dma_wait3A_237, %dma_wait3A_238] : memref<32x4x128xi32, #tpu.memory_space<hbm>> -> memref<1x4x128xi32, #tpu.memory_space<hbm>>
      %dma_wait3A_240 = tpu.memref_squeeze %dma_wait3A_239 : memref<1x4x128xi32, #tpu.memory_space<hbm>> -> memref<4x128xi32, #tpu.memory_space<hbm>>
      tpu.wait_dma2 semaphore(%run_scoped3A : memref<!tpu.dma_semaphore, #tpu.memory_space<semaphore_mem>>) src(%dma_wait3A_240 : memref<4x128xi32, #tpu.memory_space<hbm>>) dst(%arg6 : memref<4x128xi32, #tpu.memory_space<vmem>>)
      tpu.yield
    }) : () -> ()
    "tpu.region"() ({
      %run_scoped3A = tpu.sem_alloc : memref<!tpu.dma_semaphore, #tpu.memory_space<semaphore_mem>>
      tpu.enqueue_dma source(%arg3 : memref<16xf32, #tpu.memory_space<hbm>>) target(%arg8 : memref<16xf32, #tpu.memory_space<vmem>>) target_semaphore(%run_scoped3A : memref<!tpu.dma_semaphore, #tpu.memory_space<semaphore_mem>>)
      tpu.wait_dma2 semaphore(%run_scoped3A : memref<!tpu.dma_semaphore, #tpu.memory_space<semaphore_mem>>) src(%arg3 : memref<16xf32, #tpu.memory_space<hbm>>) dst(%arg8 : memref<16xf32, #tpu.memory_space<vmem>>)
      tpu.yield
    }) : () -> ()
    %dma_start3A = arith.constant 0 : i32
    %dma_start3A_3 = arith.constant 0 : i32
    %dma_start3A_4 = tpu.memref_slice %arg7[%dma_start3A_3] : memref<512xf32, #tpu.memory_space<vmem>> -> memref<128xf32, #tpu.memory_space<vmem>>
    %dma_start3A_5 = arith.constant 0 : i32
    %dma_start3A_6 = tpu.memref_slice %arg6[%dma_start3A, %dma_start3A_5] : memref<4x128xi32, #tpu.memory_space<vmem>> -> memref<1x128xi32, #tpu.memory_space<vmem>>
    %dma_start3A_7 = tpu.memref_squeeze %dma_start3A_6 : memref<1x128xi32, #tpu.memory_space<vmem>> -> memref<128xi32, #tpu.memory_space<vmem>>
    %dma_start3A_8 = arith.constant 0 : i32
    %dma_start3A_9 = tpu.memref_slice %arg4[%dma_start3A_8] : memref<1000000xf32, #tpu.memory_space<hbm>> -> memref<1000000xf32, #tpu.memory_space<hbm>>
    tpu.enqueue_indirect_dma source(%dma_start3A_9 : memref<1000000xf32, #tpu.memory_space<hbm>>) target(%dma_start3A_4 : memref<128xf32, #tpu.memory_space<vmem>>) offsets(%dma_start3A_7 : memref<128xi32, #tpu.memory_space<vmem>>) semaphore(%arg9 : memref<!tpu.dma_semaphore, #tpu.memory_space<semaphore_mem>>)
    %dma_start3A_10 = arith.constant 1 : i32
    %dma_start3A_11 = arith.constant 128 : i32
    %dma_start3A_12 = tpu.memref_slice %arg7[%dma_start3A_11] : memref<512xf32, #tpu.memory_space<vmem>> -> memref<128xf32, #tpu.memory_space<vmem>>
    %dma_start3A_13 = arith.constant 0 : i32
    %dma_start3A_14 = tpu.memref_slice %arg6[%dma_start3A_10, %dma_start3A_13] : memref<4x128xi32, #tpu.memory_space<vmem>> -> memref<1x128xi32, #tpu.memory_space<vmem>>
    %dma_start3A_15 = tpu.memref_squeeze %dma_start3A_14 : memref<1x128xi32, #tpu.memory_space<vmem>> -> memref<128xi32, #tpu.memory_space<vmem>>
    %dma_start3A_16 = arith.constant 0 : i32
    %dma_start3A_17 = tpu.memref_slice %arg4[%dma_start3A_16] : memref<1000000xf32, #tpu.memory_space<hbm>> -> memref<1000000xf32, #tpu.memory_space<hbm>>
    tpu.enqueue_indirect_dma source(%dma_start3A_17 : memref<1000000xf32, #tpu.memory_space<hbm>>) target(%dma_start3A_12 : memref<128xf32, #tpu.memory_space<vmem>>) offsets(%dma_start3A_15 : memref<128xi32, #tpu.memory_space<vmem>>) semaphore(%arg9 : memref<!tpu.dma_semaphore, #tpu.memory_space<semaphore_mem>>)
    %dma_start3A_18 = arith.constant 2 : i32
    %dma_start3A_19 = arith.constant 256 : i32
    %dma_start3A_20 = tpu.memref_slice %arg7[%dma_start3A_19] : memref<512xf32, #tpu.memory_space<vmem>> -> memref<128xf32, #tpu.memory_space<vmem>>
    %dma_start3A_21 = arith.constant 0 : i32
    %dma_start3A_22 = tpu.memref_slice %arg6[%dma_start3A_18, %dma_start3A_21] : memref<4x128xi32, #tpu.memory_space<vmem>> -> memref<1x128xi32, #tpu.memory_space<vmem>>
    %dma_start3A_23 = tpu.memref_squeeze %dma_start3A_22 : memref<1x128xi32, #tpu.memory_space<vmem>> -> memref<128xi32, #tpu.memory_space<vmem>>
    %dma_start3A_24 = arith.constant 0 : i32
    %dma_start3A_25 = tpu.memref_slice %arg4[%dma_start3A_24] : memref<1000000xf32, #tpu.memory_space<hbm>> -> memref<1000000xf32, #tpu.memory_space<hbm>>
    tpu.enqueue_indirect_dma source(%dma_start3A_25 : memref<1000000xf32, #tpu.memory_space<hbm>>) target(%dma_start3A_20 : memref<128xf32, #tpu.memory_space<vmem>>) offsets(%dma_start3A_23 : memref<128xi32, #tpu.memory_space<vmem>>) semaphore(%arg9 : memref<!tpu.dma_semaphore, #tpu.memory_space<semaphore_mem>>)
    %dma_start3A_26 = arith.constant 3 : i32
    %dma_start3A_27 = arith.constant 384 : i32
    %dma_start3A_28 = tpu.memref_slice %arg7[%dma_start3A_27] : memref<512xf32, #tpu.memory_space<vmem>> -> memref<128xf32, #tpu.memory_space<vmem>>
    %dma_start3A_29 = arith.constant 0 : i32
    %dma_start3A_30 = tpu.memref_slice %arg6[%dma_start3A_26, %dma_start3A_29] : memref<4x128xi32, #tpu.memory_space<vmem>> -> memref<1x128xi32, #tpu.memory_space<vmem>>
    %dma_start3A_31 = tpu.memref_squeeze %dma_start3A_30 : memref<1x128xi32, #tpu.memory_space<vmem>> -> memref<128xi32, #tpu.memory_space<vmem>>
    %dma_start3A_32 = arith.constant 0 : i32
    %dma_start3A_33 = tpu.memref_slice %arg4[%dma_start3A_32] : memref<1000000xf32, #tpu.memory_space<hbm>> -> memref<1000000xf32, #tpu.memory_space<hbm>>
    tpu.enqueue_indirect_dma source(%dma_start3A_33 : memref<1000000xf32, #tpu.memory_space<hbm>>) target(%dma_start3A_28 : memref<128xf32, #tpu.memory_space<vmem>>) offsets(%dma_start3A_31 : memref<128xi32, #tpu.memory_space<vmem>>) semaphore(%arg9 : memref<!tpu.dma_semaphore, #tpu.memory_space<semaphore_mem>>)
    %dma_wait3A = arith.constant 0 : i32
    %dma_wait3A_34 = arith.constant 0 : i32
    %dma_wait3A_35 = tpu.memref_slice %arg7[%dma_wait3A_34] : memref<512xf32, #tpu.memory_space<vmem>> -> memref<128xf32, #tpu.memory_space<vmem>>
    %dma_wait3A_36 = arith.constant 0 : i32
    %dma_wait3A_37 = tpu.memref_slice %arg6[%dma_wait3A, %dma_wait3A_36] : memref<4x128xi32, #tpu.memory_space<vmem>> -> memref<1x128xi32, #tpu.memory_space<vmem>>
    %dma_wait3A_38 = tpu.memref_squeeze %dma_wait3A_37 : memref<1x128xi32, #tpu.memory_space<vmem>> -> memref<128xi32, #tpu.memory_space<vmem>>
    %dma_wait3A_39 = arith.constant 0 : i32
    %dma_wait3A_40 = tpu.memref_slice %arg4[%dma_wait3A_39] : memref<1000000xf32, #tpu.memory_space<hbm>> -> memref<1000000xf32, #tpu.memory_space<hbm>>
    tpu.wait_indirect_dma semaphore(%arg9 : memref<!tpu.dma_semaphore, #tpu.memory_space<semaphore_mem>>) src(%dma_wait3A_40 : memref<1000000xf32, #tpu.memory_space<hbm>>) dst(%dma_wait3A_35 : memref<128xf32, #tpu.memory_space<vmem>>)
    %dma_wait3A_41 = arith.constant 1 : i32
    %dma_wait3A_42 = arith.constant 128 : i32
    %dma_wait3A_43 = tpu.memref_slice %arg7[%dma_wait3A_42] : memref<512xf32, #tpu.memory_space<vmem>> -> memref<128xf32, #tpu.memory_space<vmem>>
    %dma_wait3A_44 = arith.constant 0 : i32
    %dma_wait3A_45 = tpu.memref_slice %arg6[%dma_wait3A_41, %dma_wait3A_44] : memref<4x128xi32, #tpu.memory_space<vmem>> -> memref<1x128xi32, #tpu.memory_space<vmem>>
    %dma_wait3A_46 = tpu.memref_squeeze %dma_wait3A_45 : memref<1x128xi32, #tpu.memory_space<vmem>> -> memref<128xi32, #tpu.memory_space<vmem>>
    %dma_wait3A_47 = arith.constant 0 : i32
    %dma_wait3A_48 = tpu.memref_slice %arg4[%dma_wait3A_47] : memref<1000000xf32, #tpu.memory_space<hbm>> -> memref<1000000xf32, #tpu.memory_space<hbm>>
    tpu.wait_indirect_dma semaphore(%arg9 : memref<!tpu.dma_semaphore, #tpu.memory_space<semaphore_mem>>) src(%dma_wait3A_48 : memref<1000000xf32, #tpu.memory_space<hbm>>) dst(%dma_wait3A_43 : memref<128xf32, #tpu.memory_space<vmem>>)
    %dma_wait3A_49 = arith.constant 2 : i32
    %dma_wait3A_50 = arith.constant 256 : i32
    %dma_wait3A_51 = tpu.memref_slice %arg7[%dma_wait3A_50] : memref<512xf32, #tpu.memory_space<vmem>> -> memref<128xf32, #tpu.memory_space<vmem>>
    %dma_wait3A_52 = arith.constant 0 : i32
    %dma_wait3A_53 = tpu.memref_slice %arg6[%dma_wait3A_49, %dma_wait3A_52] : memref<4x128xi32, #tpu.memory_space<vmem>> -> memref<1x128xi32, #tpu.memory_space<vmem>>
    %dma_wait3A_54 = tpu.memref_squeeze %dma_wait3A_53 : memref<1x128xi32, #tpu.memory_space<vmem>> -> memref<128xi32, #tpu.memory_space<vmem>>
    %dma_wait3A_55 = arith.constant 0 : i32
    %dma_wait3A_56 = tpu.memref_slice %arg4[%dma_wait3A_55] : memref<1000000xf32, #tpu.memory_space<hbm>> -> memref<1000000xf32, #tpu.memory_space<hbm>>
    tpu.wait_indirect_dma semaphore(%arg9 : memref<!tpu.dma_semaphore, #tpu.memory_space<semaphore_mem>>) src(%dma_wait3A_56 : memref<1000000xf32, #tpu.memory_space<hbm>>) dst(%dma_wait3A_51 : memref<128xf32, #tpu.memory_space<vmem>>)
    %dma_wait3A_57 = arith.constant 3 : i32
    %dma_wait3A_58 = arith.constant 384 : i32
    %dma_wait3A_59 = tpu.memref_slice %arg7[%dma_wait3A_58] : memref<512xf32, #tpu.memory_space<vmem>> -> memref<128xf32, #tpu.memory_space<vmem>>
    %dma_wait3A_60 = arith.constant 0 : i32
    %dma_wait3A_61 = tpu.memref_slice %arg6[%dma_wait3A_57, %dma_wait3A_60] : memref<4x128xi32, #tpu.memory_space<vmem>> -> memref<1x128xi32, #tpu.memory_space<vmem>>
    %dma_wait3A_62 = tpu.memref_squeeze %dma_wait3A_61 : memref<1x128xi32, #tpu.memory_space<vmem>> -> memref<128xi32, #tpu.memory_space<vmem>>
    %dma_wait3A_63 = arith.constant 0 : i32
    %dma_wait3A_64 = tpu.memref_slice %arg4[%dma_wait3A_63] : memref<1000000xf32, #tpu.memory_space<hbm>> -> memref<1000000xf32, #tpu.memory_space<hbm>>
    tpu.wait_indirect_dma semaphore(%arg9 : memref<!tpu.dma_semaphore, #tpu.memory_space<semaphore_mem>>) src(%dma_wait3A_64 : memref<1000000xf32, #tpu.memory_space<hbm>>) dst(%dma_wait3A_59 : memref<128xf32, #tpu.memory_space<vmem>>)
    %get3A = arith.constant 0 : index
    %get3A_65 = tpu.vector_load %arg8[%get3A] {strides = array<i32>} : memref<16xf32, #tpu.memory_space<vmem>>, vector<16xf32>,
    %get3A_66 = arith.constant 0 : index
    %get3A_67 = tpu.vector_load %arg7[%get3A_66] {strides = array<i32>} : memref<512xf32, #tpu.memory_space<vmem>>, vector<16xf32>,
    %add3A_68 = arith.addf %get3A_67, %get3A_65 : vector<16xf32>
    %swap3A = arith.constant 0 : index
    %swap3A_69 = tpu.vector_load %arg7[%swap3A] {strides = array<i32>} : memref<512xf32, #tpu.memory_space<vmem>>, vector<16xf32>,
    tpu.vector_store %arg7[%swap3A], %add3A_68 {strides = array<i32>} : memref<512xf32, #tpu.memory_space<vmem>>, vector<16xf32>,
    %get3A_70 = arith.constant 16 : index
    %get3A_71 = tpu.vector_load %arg7[%get3A_70] {strides = array<i32>} : memref<512xf32, #tpu.memory_space<vmem>>, vector<16xf32>,
    %add3A_72 = arith.addf %get3A_71, %get3A_65 : vector<16xf32>
    %swap3A_73 = arith.constant 16 : index
    %swap3A_74 = tpu.vector_load %arg7[%swap3A_73] {strides = array<i32>} : memref<512xf32, #tpu.memory_space<vmem>>, vector<16xf32>,
    tpu.vector_store %arg7[%swap3A_73], %add3A_72 {strides = array<i32>} : memref<512xf32, #tpu.memory_space<vmem>>, vector<16xf32>,
    %get3A_75 = arith.constant 32 : index
    %get3A_76 = tpu.vector_load %arg7[%get3A_75] {strides = array<i32>} : memref<512xf32, #tpu.memory_space<vmem>>, vector<16xf32>,
    %add3A_77 = arith.addf %get3A_76, %get3A_65 : vector<16xf32>
    %swap3A_78 = arith.constant 32 : index
    %swap3A_79 = tpu.vector_load %arg7[%swap3A_78] {strides = array<i32>} : memref<512xf32, #tpu.memory_space<vmem>>, vector<16xf32>,
    tpu.vector_store %arg7[%swap3A_78], %add3A_77 {strides = array<i32>} : memref<512xf32, #tpu.memory_space<vmem>>, vector<16xf32>,
    %get3A_80 = arith.constant 48 : index
    %get3A_81 = tpu.vector_load %arg7[%get3A_80] {strides = array<i32>} : memref<512xf32, #tpu.memory_space<vmem>>, vector<16xf32>,
    %add3A_82 = arith.addf %get3A_81, %get3A_65 : vector<16xf32>
    %swap3A_83 = arith.constant 48 : index
    %swap3A_84 = tpu.vector_load %arg7[%swap3A_83] {strides = array<i32>} : memref<512xf32, #tpu.memory_space<vmem>>, vector<16xf32>,
    tpu.vector_store %arg7[%swap3A_83], %add3A_82 {strides = array<i32>} : memref<512xf32, #tpu.memory_space<vmem>>, vector<16xf32>,
    %get3A_85 = arith.constant 64 : index
    %get3A_86 = tpu.vector_load %arg7[%get3A_85] {strides = array<i32>} : memref<512xf32, #tpu.memory_space<vmem>>, vector<16xf32>,
    %add3A_87 = arith.addf %get3A_86, %get3A_65 : vector<16xf32>
    %swap3A_88 = arith.constant 64 : index
    %swap3A_89 = tpu.vector_load %arg7[%swap3A_88] {strides = array<i32>} : memref<512xf32, #tpu.memory_space<vmem>>, vector<16xf32>,
    tpu.vector_store %arg7[%swap3A_88], %add3A_87 {strides = array<i32>} : memref<512xf32, #tpu.memory_space<vmem>>, vector<16xf32>,
    %get3A_90 = arith.constant 80 : index
    %get3A_91 = tpu.vector_load %arg7[%get3A_90] {strides = array<i32>} : memref<512xf32, #tpu.memory_space<vmem>>, vector<16xf32>,
    %add3A_92 = arith.addf %get3A_91, %get3A_65 : vector<16xf32>
    %swap3A_93 = arith.constant 80 : index
    %swap3A_94 = tpu.vector_load %arg7[%swap3A_93] {strides = array<i32>} : memref<512xf32, #tpu.memory_space<vmem>>, vector<16xf32>,
    tpu.vector_store %arg7[%swap3A_93], %add3A_92 {strides = array<i32>} : memref<512xf32, #tpu.memory_space<vmem>>, vector<16xf32>,
    %get3A_95 = arith.constant 96 : index
    %get3A_96 = tpu.vector_load %arg7[%get3A_95] {strides = array<i32>} : memref<512xf32, #tpu.memory_space<vmem>>, vector<16xf32>,
    %add3A_97 = arith.addf %get3A_96, %get3A_65 : vector<16xf32>
    %swap3A_98 = arith.constant 96 : index
    %swap3A_99 = tpu.vector_load %arg7[%swap3A_98] {strides = array<i32>} : memref<512xf32, #tpu.memory_space<vmem>>, vector<16xf32>,
    tpu.vector_store %arg7[%swap3A_98], %add3A_97 {strides = array<i32>} : memref<512xf32, #tpu.memory_space<vmem>>, vector<16xf32>,
    %get3A_100 = arith.constant 112 : index
    %get3A_101 = tpu.vector_load %arg7[%get3A_100] {strides = array<i32>} : memref<512xf32, #tpu.memory_space<vmem>>, vector<16xf32>,
    %add3A_102 = arith.addf %get3A_101, %get3A_65 : vector<16xf32>
    %swap3A_103 = arith.constant 112 : index
    %swap3A_104 = tpu.vector_load %arg7[%swap3A_103] {strides = array<i32>} : memref<512xf32, #tpu.memory_space<vmem>>, vector<16xf32>,
    tpu.vector_store %arg7[%swap3A_103], %add3A_102 {strides = array<i32>} : memref<512xf32, #tpu.memory_space<vmem>>, vector<16xf32>,
    %get3A_105 = arith.constant 128 : index
    %get3A_106 = tpu.vector_load %arg7[%get3A_105] {strides = array<i32>} : memref<512xf32, #tpu.memory_space<vmem>>, vector<16xf32>,
    %add3A_107 = arith.addf %get3A_106, %get3A_65 : vector<16xf32>
    %swap3A_108 = arith.constant 128 : index
    %swap3A_109 = tpu.vector_load %arg7[%swap3A_108] {strides = array<i32>} : memref<512xf32, #tpu.memory_space<vmem>>, vector<16xf32>,
    tpu.vector_store %arg7[%swap3A_108], %add3A_107 {strides = array<i32>} : memref<512xf32, #tpu.memory_space<vmem>>, vector<16xf32>,
    %get3A_110 = arith.constant 144 : index
    %get3A_111 = tpu.vector_load %arg7[%get3A_110] {strides = array<i32>} : memref<512xf32, #tpu.memory_space<vmem>>, vector<16xf32>,
    %add3A_112 = arith.addf %get3A_111, %get3A_65 : vector<16xf32>
    %swap3A_113 = arith.constant 144 : index
    %swap3A_114 = tpu.vector_load %arg7[%swap3A_113] {strides = array<i32>} : memref<512xf32, #tpu.memory_space<vmem>>, vector<16xf32>,
    tpu.vector_store %arg7[%swap3A_113], %add3A_112 {strides = array<i32>} : memref<512xf32, #tpu.memory_space<vmem>>, vector<16xf32>,
    %get3A_115 = arith.constant 160 : index
    %get3A_116 = tpu.vector_load %arg7[%get3A_115] {strides = array<i32>} : memref<512xf32, #tpu.memory_space<vmem>>, vector<16xf32>,
    %add3A_117 = arith.addf %get3A_116, %get3A_65 : vector<16xf32>
    %swap3A_118 = arith.constant 160 : index
    %swap3A_119 = tpu.vector_load %arg7[%swap3A_118] {strides = array<i32>} : memref<512xf32, #tpu.memory_space<vmem>>, vector<16xf32>,
    tpu.vector_store %arg7[%swap3A_118], %add3A_117 {strides = array<i32>} : memref<512xf32, #tpu.memory_space<vmem>>, vector<16xf32>,
    %get3A_120 = arith.constant 176 : index
    %get3A_121 = tpu.vector_load %arg7[%get3A_120] {strides = array<i32>} : memref<512xf32, #tpu.memory_space<vmem>>, vector<16xf32>,
    %add3A_122 = arith.addf %get3A_121, %get3A_65 : vector<16xf32>
    %swap3A_123 = arith.constant 176 : index
    %swap3A_124 = tpu.vector_load %arg7[%swap3A_123] {strides = array<i32>} : memref<512xf32, #tpu.memory_space<vmem>>, vector<16xf32>,
    tpu.vector_store %arg7[%swap3A_123], %add3A_122 {strides = array<i32>} : memref<512xf32, #tpu.memory_space<vmem>>, vector<16xf32>,
    %get3A_125 = arith.constant 192 : index
    %get3A_126 = tpu.vector_load %arg7[%get3A_125] {strides = array<i32>} : memref<512xf32, #tpu.memory_space<vmem>>, vector<16xf32>,
    %add3A_127 = arith.addf %get3A_126, %get3A_65 : vector<16xf32>
    %swap3A_128 = arith.constant 192 : index
    %swap3A_129 = tpu.vector_load %arg7[%swap3A_128] {strides = array<i32>} : memref<512xf32, #tpu.memory_space<vmem>>, vector<16xf32>,
    tpu.vector_store %arg7[%swap3A_128], %add3A_127 {strides = array<i32>} : memref<512xf32, #tpu.memory_space<vmem>>, vector<16xf32>,
    %get3A_130 = arith.constant 208 : index
    %get3A_131 = tpu.vector_load %arg7[%get3A_130] {strides = array<i32>} : memref<512xf32, #tpu.memory_space<vmem>>, vector<16xf32>,
    %add3A_132 = arith.addf %get3A_131, %get3A_65 : vector<16xf32>
    %swap3A_133 = arith.constant 208 : index
    %swap3A_134 = tpu.vector_load %arg7[%swap3A_133] {strides = array<i32>} : memref<512xf32, #tpu.memory_space<vmem>>, vector<16xf32>,
    tpu.vector_store %arg7[%swap3A_133], %add3A_132 {strides = array<i32>} : memref<512xf32, #tpu.memory_space<vmem>>, vector<16xf32>,
    %get3A_135 = arith.constant 224 : index
    %get3A_136 = tpu.vector_load %arg7[%get3A_135] {strides = array<i32>} : memref<512xf32, #tpu.memory_space<vmem>>, vector<16xf32>,
    %add3A_137 = arith.addf %get3A_136, %get3A_65 : vector<16xf32>
    %swap3A_138 = arith.constant 224 : index
    %swap3A_139 = tpu.vector_load %arg7[%swap3A_138] {strides = array<i32>} : memref<512xf32, #tpu.memory_space<vmem>>, vector<16xf32>,
    tpu.vector_store %arg7[%swap3A_138], %add3A_137 {strides = array<i32>} : memref<512xf32, #tpu.memory_space<vmem>>, vector<16xf32>,
    %get3A_140 = arith.constant 240 : index
    %get3A_141 = tpu.vector_load %arg7[%get3A_140] {strides = array<i32>} : memref<512xf32, #tpu.memory_space<vmem>>, vector<16xf32>,
    %add3A_142 = arith.addf %get3A_141, %get3A_65 : vector<16xf32>
    %swap3A_143 = arith.constant 240 : index
    %swap3A_144 = tpu.vector_load %arg7[%swap3A_143] {strides = array<i32>} : memref<512xf32, #tpu.memory_space<vmem>>, vector<16xf32>,
    tpu.vector_store %arg7[%swap3A_143], %add3A_142 {strides = array<i32>} : memref<512xf32, #tpu.memory_space<vmem>>, vector<16xf32>,
    %get3A_145 = arith.constant 256 : index
    %get3A_146 = tpu.vector_load %arg7[%get3A_145] {strides = array<i32>} : memref<512xf32, #tpu.memory_space<vmem>>, vector<16xf32>,
    %add3A_147 = arith.addf %get3A_146, %get3A_65 : vector<16xf32>
    %swap3A_148 = arith.constant 256 : index
    %swap3A_149 = tpu.vector_load %arg7[%swap3A_148] {strides = array<i32>} : memref<512xf32, #tpu.memory_space<vmem>>, vector<16xf32>,
    tpu.vector_store %arg7[%swap3A_148], %add3A_147 {strides = array<i32>} : memref<512xf32, #tpu.memory_space<vmem>>, vector<16xf32>,
    %get3A_150 = arith.constant 272 : index
    %get3A_151 = tpu.vector_load %arg7[%get3A_150] {strides = array<i32>} : memref<512xf32, #tpu.memory_space<vmem>>, vector<16xf32>,
    %add3A_152 = arith.addf %get3A_151, %get3A_65 : vector<16xf32>
    %swap3A_153 = arith.constant 272 : index
    %swap3A_154 = tpu.vector_load %arg7[%swap3A_153] {strides = array<i32>} : memref<512xf32, #tpu.memory_space<vmem>>, vector<16xf32>,
    tpu.vector_store %arg7[%swap3A_153], %add3A_152 {strides = array<i32>} : memref<512xf32, #tpu.memory_space<vmem>>, vector<16xf32>,
    %get3A_155 = arith.constant 288 : index
    %get3A_156 = tpu.vector_load %arg7[%get3A_155] {strides = array<i32>} : memref<512xf32, #tpu.memory_space<vmem>>, vector<16xf32>,
    %add3A_157 = arith.addf %get3A_156, %get3A_65 : vector<16xf32>
    %swap3A_158 = arith.constant 288 : index
    %swap3A_159 = tpu.vector_load %arg7[%swap3A_158] {strides = array<i32>} : memref<512xf32, #tpu.memory_space<vmem>>, vector<16xf32>,
    tpu.vector_store %arg7[%swap3A_158], %add3A_157 {strides = array<i32>} : memref<512xf32, #tpu.memory_space<vmem>>, vector<16xf32>,
    %get3A_160 = arith.constant 304 : index
    %get3A_161 = tpu.vector_load %arg7[%get3A_160] {strides = array<i32>} : memref<512xf32, #tpu.memory_space<vmem>>, vector<16xf32>,
    %add3A_162 = arith.addf %get3A_161, %get3A_65 : vector<16xf32>
    %swap3A_163 = arith.constant 304 : index
    %swap3A_164 = tpu.vector_load %arg7[%swap3A_163] {strides = array<i32>} : memref<512xf32, #tpu.memory_space<vmem>>, vector<16xf32>,
    tpu.vector_store %arg7[%swap3A_163], %add3A_162 {strides = array<i32>} : memref<512xf32, #tpu.memory_space<vmem>>, vector<16xf32>,
    %get3A_165 = arith.constant 320 : index
    %get3A_166 = tpu.vector_load %arg7[%get3A_165] {strides = array<i32>} : memref<512xf32, #tpu.memory_space<vmem>>, vector<16xf32>,
    %add3A_167 = arith.addf %get3A_166, %get3A_65 : vector<16xf32>
    %swap3A_168 = arith.constant 320 : index
    %swap3A_169 = tpu.vector_load %arg7[%swap3A_168] {strides = array<i32>} : memref<512xf32, #tpu.memory_space<vmem>>, vector<16xf32>,
    tpu.vector_store %arg7[%swap3A_168], %add3A_167 {strides = array<i32>} : memref<512xf32, #tpu.memory_space<vmem>>, vector<16xf32>,
    %get3A_170 = arith.constant 336 : index
    %get3A_171 = tpu.vector_load %arg7[%get3A_170] {strides = array<i32>} : memref<512xf32, #tpu.memory_space<vmem>>, vector<16xf32>,
    %add3A_172 = arith.addf %get3A_171, %get3A_65 : vector<16xf32>
    %swap3A_173 = arith.constant 336 : index
    %swap3A_174 = tpu.vector_load %arg7[%swap3A_173] {strides = array<i32>} : memref<512xf32, #tpu.memory_space<vmem>>, vector<16xf32>,
    tpu.vector_store %arg7[%swap3A_173], %add3A_172 {strides = array<i32>} : memref<512xf32, #tpu.memory_space<vmem>>, vector<16xf32>,
    %get3A_175 = arith.constant 352 : index
    %get3A_176 = tpu.vector_load %arg7[%get3A_175] {strides = array<i32>} : memref<512xf32, #tpu.memory_space<vmem>>, vector<16xf32>,
    %add3A_177 = arith.addf %get3A_176, %get3A_65 : vector<16xf32>
    %swap3A_178 = arith.constant 352 : index
    %swap3A_179 = tpu.vector_load %arg7[%swap3A_178] {strides = array<i32>} : memref<512xf32, #tpu.memory_space<vmem>>, vector<16xf32>,
    tpu.vector_store %arg7[%swap3A_178], %add3A_177 {strides = array<i32>} : memref<512xf32, #tpu.memory_space<vmem>>, vector<16xf32>,
    %get3A_180 = arith.constant 368 : index
    %get3A_181 = tpu.vector_load %arg7[%get3A_180] {strides = array<i32>} : memref<512xf32, #tpu.memory_space<vmem>>, vector<16xf32>,
    %add3A_182 = arith.addf %get3A_181, %get3A_65 : vector<16xf32>
    %swap3A_183 = arith.constant 368 : index
    %swap3A_184 = tpu.vector_load %arg7[%swap3A_183] {strides = array<i32>} : memref<512xf32, #tpu.memory_space<vmem>>, vector<16xf32>,
    tpu.vector_store %arg7[%swap3A_183], %add3A_182 {strides = array<i32>} : memref<512xf32, #tpu.memory_space<vmem>>, vector<16xf32>,
    %get3A_185 = arith.constant 384 : index
    %get3A_186 = tpu.vector_load %arg7[%get3A_185] {strides = array<i32>} : memref<512xf32, #tpu.memory_space<vmem>>, vector<16xf32>,
    %add3A_187 = arith.addf %get3A_186, %get3A_65 : vector<16xf32>
    %swap3A_188 = arith.constant 384 : index
    %swap3A_189 = tpu.vector_load %arg7[%swap3A_188] {strides = array<i32>} : memref<512xf32, #tpu.memory_space<vmem>>, vector<16xf32>,
    tpu.vector_store %arg7[%swap3A_188], %add3A_187 {strides = array<i32>} : memref<512xf32, #tpu.memory_space<vmem>>, vector<16xf32>,
    %get3A_190 = arith.constant 400 : index
    %get3A_191 = tpu.vector_load %arg7[%get3A_190] {strides = array<i32>} : memref<512xf32, #tpu.memory_space<vmem>>, vector<16xf32>,
    %add3A_192 = arith.addf %get3A_191, %get3A_65 : vector<16xf32>
    %swap3A_193 = arith.constant 400 : index
    %swap3A_194 = tpu.vector_load %arg7[%swap3A_193] {strides = array<i32>} : memref<512xf32, #tpu.memory_space<vmem>>, vector<16xf32>,
    tpu.vector_store %arg7[%swap3A_193], %add3A_192 {strides = array<i32>} : memref<512xf32, #tpu.memory_space<vmem>>, vector<16xf32>,
    %get3A_195 = arith.constant 416 : index
    %get3A_196 = tpu.vector_load %arg7[%get3A_195] {strides = array<i32>} : memref<512xf32, #tpu.memory_space<vmem>>, vector<16xf32>,
    %add3A_197 = arith.addf %get3A_196, %get3A_65 : vector<16xf32>
    %swap3A_198 = arith.constant 416 : index
    %swap3A_199 = tpu.vector_load %arg7[%swap3A_198] {strides = array<i32>} : memref<512xf32, #tpu.memory_space<vmem>>, vector<16xf32>,
    tpu.vector_store %arg7[%swap3A_198], %add3A_197 {strides = array<i32>} : memref<512xf32, #tpu.memory_space<vmem>>, vector<16xf32>,
    %get3A_200 = arith.constant 432 : index
    %get3A_201 = tpu.vector_load %arg7[%get3A_200] {strides = array<i32>} : memref<512xf32, #tpu.memory_space<vmem>>, vector<16xf32>,
    %add3A_202 = arith.addf %get3A_201, %get3A_65 : vector<16xf32>
    %swap3A_203 = arith.constant 432 : index
    %swap3A_204 = tpu.vector_load %arg7[%swap3A_203] {strides = array<i32>} : memref<512xf32, #tpu.memory_space<vmem>>, vector<16xf32>,
    tpu.vector_store %arg7[%swap3A_203], %add3A_202 {strides = array<i32>} : memref<512xf32, #tpu.memory_space<vmem>>, vector<16xf32>,
    %get3A_205 = arith.constant 448 : index
    %get3A_206 = tpu.vector_load %arg7[%get3A_205] {strides = array<i32>} : memref<512xf32, #tpu.memory_space<vmem>>, vector<16xf32>,
    %add3A_207 = arith.addf %get3A_206, %get3A_65 : vector<16xf32>
    %swap3A_208 = arith.constant 448 : index
    %swap3A_209 = tpu.vector_load %arg7[%swap3A_208] {strides = array<i32>} : memref<512xf32, #tpu.memory_space<vmem>>, vector<16xf32>,
    tpu.vector_store %arg7[%swap3A_208], %add3A_207 {strides = array<i32>} : memref<512xf32, #tpu.memory_space<vmem>>, vector<16xf32>,
    %get3A_210 = arith.constant 464 : index
    %get3A_211 = tpu.vector_load %arg7[%get3A_210] {strides = array<i32>} : memref<512xf32, #tpu.memory_space<vmem>>, vector<16xf32>,
    %add3A_212 = arith.addf %get3A_211, %get3A_65 : vector<16xf32>
    %swap3A_213 = arith.constant 464 : index
    %swap3A_214 = tpu.vector_load %arg7[%swap3A_213] {strides = array<i32>} : memref<512xf32, #tpu.memory_space<vmem>>, vector<16xf32>,
    tpu.vector_store %arg7[%swap3A_213], %add3A_212 {strides = array<i32>} : memref<512xf32, #tpu.memory_space<vmem>>, vector<16xf32>,
    %get3A_215 = arith.constant 480 : index
    %get3A_216 = tpu.vector_load %arg7[%get3A_215] {strides = array<i32>} : memref<512xf32, #tpu.memory_space<vmem>>, vector<16xf32>,
    %add3A_217 = arith.addf %get3A_216, %get3A_65 : vector<16xf32>
    %swap3A_218 = arith.constant 480 : index
    %swap3A_219 = tpu.vector_load %arg7[%swap3A_218] {strides = array<i32>} : memref<512xf32, #tpu.memory_space<vmem>>, vector<16xf32>,
    tpu.vector_store %arg7[%swap3A_218], %add3A_217 {strides = array<i32>} : memref<512xf32, #tpu.memory_space<vmem>>, vector<16xf32>,
    %get3A_220 = arith.constant 496 : index
    %get3A_221 = tpu.vector_load %arg7[%get3A_220] {strides = array<i32>} : memref<512xf32, #tpu.memory_space<vmem>>, vector<16xf32>,
    %add3A_222 = arith.addf %get3A_221, %get3A_65 : vector<16xf32>
    %swap3A_223 = arith.constant 496 : index
    %swap3A_224 = tpu.vector_load %arg7[%swap3A_223] {strides = array<i32>} : memref<512xf32, #tpu.memory_space<vmem>>, vector<16xf32>,
    tpu.vector_store %arg7[%swap3A_223], %add3A_222 {strides = array<i32>} : memref<512xf32, #tpu.memory_space<vmem>>, vector<16xf32>,
    "tpu.region"() ({
      %run_scoped3A = tpu.sem_alloc : memref<!tpu.dma_semaphore, #tpu.memory_space<semaphore_mem>>
      %dma_start3A_225 = tpu.memref_slice %arg5[%mul3A_2] : memref<16384xf32, #tpu.memory_space<hbm>> -> memref<512xf32, #tpu.memory_space<hbm>>
      %dma_start3A_226 = tpu.memref_slice %arg5[%mul3A_2] : memref<16384xf32, #tpu.memory_space<hbm>> -> memref<512xf32, #tpu.memory_space<hbm>>
      tpu.enqueue_dma source(%arg7 : memref<512xf32, #tpu.memory_space<vmem>>) target(%dma_start3A_226 : memref<512xf32, #tpu.memory_space<hbm>>) target_semaphore(%run_scoped3A : memref<!tpu.dma_semaphore, #tpu.memory_space<semaphore_mem>>)
      %dma_wait3A_227 = tpu.memref_slice %arg5[%mul3A_2] : memref<16384xf32, #tpu.memory_space<hbm>> -> memref<512xf32, #tpu.memory_space<hbm>>
      %dma_wait3A_228 = tpu.memref_slice %arg5[%mul3A_2] : memref<16384xf32, #tpu.memory_space<hbm>> -> memref<512xf32, #tpu.memory_space<hbm>>
      tpu.wait_dma2 semaphore(%run_scoped3A : memref<!tpu.dma_semaphore, #tpu.memory_space<semaphore_mem>>) src(%arg7 : memref<512xf32, #tpu.memory_space<vmem>>) dst(%dma_wait3A_228 : memref<512xf32, #tpu.memory_space<hbm>>)
      tpu.yield
    }) : () -> ()
    return
  }
}

module attributes {stable_mosaic.version = 14 : i64} {
  func.func @body(%arg0: i32, %arg1: memref<32x65536xf32, #tpu.memory_space<vmem>>, %arg2: memref<32x128xf32, #tpu.memory_space<vmem>>, %arg3: memref<65536xf32, #tpu.memory_space<vmem>>) attributes {dimension_semantics = [#tpu.dimension_semantics<parallel>], iteration_bounds = array<i64: 16>, scalar_prefetch = 0 : i64, scratch_operands = 0 : i64, tpu.core_type = #tpu.core_type<tc>, window_params = [{transform_indices = @transform_0, window_bounds = array<i64: 32, 65536>}, {pipeline_mode = #tpu.pipeline_mode<synchronous>, transform_indices = @transform_1, window_bounds = array<i64: 32, 128>}, {transform_indices = @transform_2, window_bounds = array<i64: 65536>}]} {
    %get3A = arith.constant 0 : index
    %get3A_0 = arith.constant 0 : index
    %get3A_1 = vector.load %arg1[%get3A, %get3A_0] : memref<32x65536xf32, #tpu.memory_space<vmem>>, vector<32x65536xf32>
    %get3A_2 = arith.constant 0 : index
    %get3A_3 = arith.constant 0 : index
    %get3A_4 = vector.load %arg2[%get3A_2, %get3A_3] : memref<32x128xf32, #tpu.memory_space<vmem>>, vector<32x1xf32>
    %mul3A = vector.broadcast %get3A_4 : vector<32x1xf32> to vector<32x65536xf32>
    %mul3A_5 = arith.mulf %get3A_1, %mul3A : vector<32x65536xf32>
    %reduce_sum3A = arith.constant dense<0.000000e+00> : vector<65536xf32>
    %reduce_sum3A_6 = vector.multi_reduction <add>, %mul3A_5, %reduce_sum3A [0] : vector<32x65536xf32> to vector<65536xf32>
    %swap3A = arith.constant 0 : index
    %swap3A_7 = vector.load %arg3[%swap3A] : memref<65536xf32, #tpu.memory_space<vmem>>, vector<65536xf32>
    tpu.vector_store %arg3[%swap3A], %reduce_sum3A_6 {strides = array<i32>} : memref<65536xf32, #tpu.memory_space<vmem>>, vector<65536xf32>,
    return
  }
  func.func @transform_0(%arg0: i32) -> (i32, i32) {
    %c0_i32 = arith.constant 0 : i32
    %c0_i32_0 = arith.constant 0 : i32
    return %c0_i32, %arg0 : i32, i32
  }
  func.func @transform_1(%arg0: i32) -> (i32, i32) {
    %c0_i32 = arith.constant 0 : i32
    %c0_i32_0 = arith.constant 0 : i32
    %c0_i32_1 = arith.constant 0 : i32
    return %c0_i32, %c0_i32_0 : i32, i32
  }
  func.func @transform_2(%arg0: i32) -> i32 {
    %c0_i32 = arith.constant 0 : i32
    return %arg0 : i32
  }
}

</mosaic_0001>

<sc_bundles>
// kernel: kernel.4.cloned.1.call-start
scs
__scs_entry_jumppad:
0x0: {  	(pc) =	sbr.rel $0x88, $3  }
0x1: {  	(tag) =	ssettag $0x0;
	lr =	simm.s32 $0x1  }
0x2: {  	[smem:$0x3F9D] =	sst lr;
	_ =	strace $0xD0000000  }
0x3: {  	_ = 	snop  }
0x4: {  	_ = 	snop  }
0x5: {  	_ = 	snop  }
0x6: {  	_ = 	snop  }
0x7: {  	_ = 	snop  }
__scs_overlays_trampoline_lowered:
0x8: {  	[smem:$0x3FAC] =	sst s0  }
0x9: {  	[smem:$0x3FAD] =	sst s1  }
0xa: {  	[smem:$0x3FAE] =	sst s2  }
0xb: {  	[smem:$0x3FAF] =	sst s3  }
0xc: {  	[smem:$0x3FB0] =	sst s4  }
0xd: {  	[smem:$0x3FB1] =	sst s5  }
0xe: {  	[smem:$0x3FB2] =	sst s6  }
0xf: {  	[smem:$0x3FB3] =	sst s7  }
0x10: {  	[smem:$0x3FB4] =	sst s8  }
0x11: {  	[smem:$0x3FB5] =	sst s9;
	s0 =	simm.s32 @!p0 $0x0  }
0x12: {  	s1 =	sld [smem:$0x3F9B];
	s0 =	simm.s32 @p0 $0x1  }
0x13: {  	[smem:$0x3FB6] =	sst s0;
	s0 =	simm.s32 @!p1 $0x0  }
0x14: {  	s2 =	sld [smem:$0x3F9A];
	s0 =	simm.s32 @p1 $0x1  }
0x15: {  	[smem:$0x3FB7] =	sst s0;
	s0 =	simm.s32 @!p2 $0x0  }
0x16: {  	s3 =	sld [smem:$0x3FDB];
	s0 =	simm.s32 @p2 $0x1  }
0x17: {  	s4 =	simm.s32 $0x1BF5;
	[smem:$0x3FB9] =	sst s0  }
0x18: {  	s0 =	sld [smem:$0x3F9C];
	_ =	swait.ge [sflag:s4], $0x0  }
0x19: {  	s7 =	sld [smem:$0x3F9D]  }
0x1a: {  	s8 =	sadd.s32 $0xFFFFE003, lr  }
0x1b: {  	s9 =	sadd.s32 $0xFFFFFEF7, lr;
	s5 =	simm.s32 $0xFFFFFFFF;
	p2 =	slt.u32 s8, $0xFFFFF086  }
0x1c: {  	p1 =	slt.u32 s9, $0xF7A;
	s5 =	simm.s32 @!p2 $0x0  }
0x1d: {  	s5 =	simm.s32 @p1 $0x1;
	p0 =	seq.s32 s7, s2  }
0x1e: {  	s7 =	smul.u32 @!p0 $0xF7A, s2;
	p2 =	seq.s32 @!p0 s5, $0x0  }
0x1f: {  	s9 =	smul.u32 $0xF7A, s1;
	s8 =	simm.s32 @!p0 $0x1BF5;
	p2 =	por !p2, p0  }
0x20: {  	[sflag:s8] =	ssyncset.s32 @!p0 $0xFFFFF086;
	s6 =	sadd.s32 @!p0 s3, s7;
	s7 =	simm.s32 @!p0 $0x108  }
0x21: {  	s3 =	sadd.s32 s3, s9;
	s6 =	sadd.s32 @!p0 $0x88, s6;
	s7 =	simm.s32 @p2 $0x1082  }
0x22: {  	[simem:s7], [sflag:s8] =	dma.local @!p0 [hbm:s6], $0xF7A  }
0x23: {  	s9 =	sor.u32 $0xD0000000, s2;
	s6 =	simm.s32 $0x108;
	_ =	swait.ge @!p0 [sflag:s8], $0x0  }
0x24: {  	s3 =	sadd.s32 $0x88, s3;
	s6 =	simm.s32 @!p1 $0x1082;
	[sflag:s4] =	ssyncset.s32 $0xFFFFF086  }
0x25: {  	[simem:s6], [sflag:s4] =	dma.local [hbm:s3], $0xF7A  }
0x26: {  	[smem:$0x3F9D] =	sst s1;
	(tag) =	ssettag s2;
	_ =	strace s9  }
0x27: {  	s1 =	sld [smem:$0x3FAD]  }
0x28: {  	s2 =	sld [smem:$0x3FAE]  }
0x29: {  	s4 =	sld [smem:$0x3FB0]  }
0x2a: {  	p0 =	seq.s32 s5, $0x0;
	s5 =	sld [smem:$0x3FB1]  }
0x2b: {  	s6 =	sld [smem:$0x3FB2]  }
0x2c: {  	s7 =	sld [smem:$0x3FB3]  }
0x2d: {  	s3 =	simm.s32 $0x108;
	s8 =	sld [smem:$0x3FB4]  }
0x2e: {  	s3 =	simm.s32 @!p0 $0x1082;
	s9 =	sld [smem:$0x3FB5]  }
0x2f: {  	lr =	sadd.s32 s0, s3;
	s0 =	sld [smem:$0x3FAC]  }
0x30: {  	s3 =	sld [smem:$0x3FAF]  }
0x31: {  	[smem:$0x3FB8] =	sst s10  }
0x32: {  	s10 =	sld [smem:$0x3FB6];
	_ =	sdelay $0x3  }
0x33: {  	p0 =	seq.s32 s10, $0x1;
	s10 =	sld [smem:$0x3FB8];
	_ =	sdelay $0x3  }
0x34: {  	[smem:$0x3FB8] =	sst s10  }
0x35: {  	s10 =	sld [smem:$0x3FB7];
	_ =	sdelay $0x3  }
0x36: {  	p1 =	seq.s32 s10, $0x1;
	s10 =	sld [smem:$0x3FB8];
	_ =	sdelay $0x3  }
0x37: {  	[smem:$0x3FB8] =	sst s10  }
0x38: {  	s10 =	sld [smem:$0x3FB9]  }
0x39: {  	_ = 	snop;
	(pc) =	sbr.ind lr, $3  }
0x3a: {  	_ = 	snop  }
0x3b: {  	_ = 	snop  }
0x3c: {  	p2 =	seq.s32 s10, $0x1;
	s10 =	sld [smem:$0x3FB8]  }
0x3d: {  	_ =	shalt  }
0x3e: {  	_ =	shalt  }
0x3f: {  	_ =	shalt  }
0x40: {  	_ =	shalt  }
0x41: {  	_ =	shalt  }
0x42: {  	_ =	shalt  }
0x43: {  	_ =	shalt  }
0x44: {  	_ =	shalt  }
0x45: {  	_ =	shalt  }
0x46: {  	_ =	shalt  }
0x47: {  	_ =	shalt  }
0x48: {  	_ =	shalt  }
0x49: {  	_ =	shalt  }
0x4a: {  	_ =	shalt  }
0x4b: {  	_ =	shalt  }
0x4c: {  	_ =	shalt  }
0x4d: {  	_ =	shalt  }
0x4e: {  	_ =	shalt  }
0x4f: {  	_ =	shalt  }
0x50: {  	_ =	shalt  }
0x51: {  	_ =	shalt  }
0x52: {  	_ =	shalt  }
0x53: {  	_ =	shalt  }
0x54: {  	_ =	shalt  }
0x55: {  	_ =	shalt  }
0x56: {  	_ =	shalt  }
0x57: {  	_ =	shalt  }
0x58: {  	_ =	shalt  }
0x59: {  	_ =	shalt  }
0x5a: {  	_ =	shalt  }
0x5b: {  	_ =	shalt  }
0x5c: {  	_ =	shalt  }
0x5d: {  	_ =	shalt  }
0x5e: {  	_ =	shalt  }
0x5f: {  	_ =	shalt  }
0x60: {  	_ =	shalt  }
0x61: {  	_ =	shalt  }
0x62: {  	_ =	shalt  }
0x63: {  	_ =	shalt  }
0x64: {  	_ =	shalt  }
0x65: {  	_ =	shalt  }
0x66: {  	_ =	shalt  }
0x67: {  	_ =	shalt  }
0x68: {  	_ =	shalt  }
0x69: {  	_ =	shalt  }
0x6a: {  	_ =	shalt  }
0x6b: {  	_ =	shalt  }
0x6c: {  	_ =	shalt  }
0x6d: {  	_ =	shalt  }
0x6e: {  	_ =	shalt  }
0x6f: {  	_ =	shalt  }
0x70: {  	_ =	shalt  }
0x71: {  	_ =	shalt  }
0x72: {  	_ =	shalt  }
0x73: {  	_ =	shalt  }
0x74: {  	_ =	shalt  }
0x75: {  	_ =	shalt  }
0x76: {  	_ =	shalt  }
0x77: {  	_ =	shalt  }
0x78: {  	_ =	shalt  }
0x79: {  	_ =	shalt  }
0x7a: {  	_ =	shalt  }
0x7b: {  	_ =	shalt  }
0x7c: {  	_ =	shalt  }
0x7d: {  	_ =	shalt  }
0x7e: {  	_ =	shalt  }
0x7f: {  	_ =	shalt  }
0x80: {  	_ =	shalt  }
0x81: {  	_ =	shalt  }
0x82: {  	_ =	shalt  }
0x83: {  	_ =	shalt  }
0x84: {  	_ =	shalt  }
0x85: {  	_ =	shalt  }
0x86: {  	_ =	shalt  }
0x87: {  	_ =	shalt  }
.Lfunc_end0:
.L_simem_size_0:
called_computation_lowered:
.L_overlay_start_0:
0x88: {  	s2 =	sld [smem:$0x3FD9]  }
0x89: {  	s3 =	sld [smem:$0x3FFE];
	_ =	sdelay $0x1  }
0x8a: {  	s1 =	srdreg.scid  }
0x8b: {  	s0 =	sand.u32 $0x1, s1  }
0x8c: {  	s17 =	sshll.u32 s0, $0xA;
	s2 =	sadd.s32 s3, s2  }
0x8d: {  	s2 =	sadd.s32 s2, s17  }
0x8e: {  	[smem:$0x3FC4] =	sst s2  }
0x8f: {  	_ = 	snop  }
0x90: {  	s2 =	sld [smem:$0x3FC9]  }
0x91: {  	s18 =	sld [smem:$0x3FD0];
	(tm) =	ssettm $0x1  }
0x92: {  	s4 =	sld [smem:$0x3FFB];
	_ =	sdelay $0x3  }
0x93: {  	_ =	strace s4  }
0x94: {  	s4 =	sld [smem:$0x3FFC];
	_ =	sdelay $0x3  }
0x95: {  	_ =	strace s4  }
0x96: {  	s4 =	sld [smem:$0x3FFD];
	_ =	sdelay $0x3  }
0x97: {  	_ =	strace s4  }
0x98: {  	_ =	strace $0x8FFFFFFF  }
0x99: {  	s19 =	sld [smem:$0x3FDB];
	_ =	sdelay $0x1  }
0x9a: {  	s5 =	simm.s32 $_scs_section_size  }
0x9b: {  	s6 =	simm.s32 $_size__tile_overlayer_lowered;
	s7 =	simm.s32 $_tile_overlayer_lowered  }
0x9c: {  	s22 =	simm.s32 $0x1BFF;
	s21 =	sshll.u32 s7, $0x1;
	s4 =	sadd.s32 s5, s19  }
0x9d: {  	s8 =	simm.s32 $0x0;
	s20 =	sshll.u32 s6, $0x1;
	s6 =	sadd.s32 s21, s4  }
0x9e: {  	[timem:s8], [sflag:s22] =	dma.local [hbm:s6], s20  }
0x9f: {  	_ =	swait.ge [sflag:s22], s20  }
0xa0: {  	s5 =	ssub.s32 $0x0, s20;
	[sflag:s22] =	ssyncset.done $0x0  }
0xa1: {  	[sflag:s22] =	ssyncadd.s32 s5;
	_ =	sdelay $0x1  }
0xa2: {  	s23 =	simm.s32 $0x1B8B  }
0xa3: {  	_ =	swait.ge [sflag:s23], $0x1  }
0xa4: {  	[sflag:s23] =	ssyncset.done $0x0  }
0xa5: {  	s25 =	simm.s32 $0x1B8E;
	s24 =	sld [smem:$0x3FFE];
	[sflag:s23] =	ssyncadd.s32 $0xFFFFFFFF  }
0xa6: {  	s26 =	simm.s32 $execute0_lowered;
	[smem:$0x3FD2] =	sst s25  }
0xa7: {  	s6 =	sshll.u32 s26, $0x1;
	_ =	strace $0x80000046;
	[dreg:$0x1] =	wrdreg $0xFFFFFFFF  }
0xa8: {  	s28 =	simm.s32 $_size_execute0_lowered;
	s4 =	sadd.s32 s4, s6;
	[dreg:$0x0] =	wrdreg $0x0  }
0xa9: {  	s6 =	sshll.u32 s28, $0x1;
	[dreg:$0x2] =	wrdreg s4  }
0xaa: {  	[dreg:$0x3] =	wrdreg s6  }
0xab: {  	[dreg:$0x4] =	wrdreg $0xC0  }
0xac: {  	_ =	task [dreg:s8], $0x5FFFF  }
0xad: {  	[dreg:$0x1] =	wrdreg $0xFFFFFFFF  }
0xae: {  	[dreg:$0x0] =	wrdreg $0x60  }
0xaf: {  	[dreg:$0x2] =	wrdreg s2  }
0xb0: {  	[dreg:$0x3] =	wrdreg s24  }
0xb1: {  	[dreg:$0x4] =	wrdreg s18  }
0xb2: {  	[dreg:$0x5] =	wrdreg $0x9  }
0xb3: {  	_ =	task.clear_ibuf [dreg:s8], $0x6FFFF;
	_ =	strace $0x90000046  }
0xb4: {  	s29 =	simm.s32 $0x9;
	_ =	strace $0x80000048  }
0xb5: {  	_ =	swait.ge [sflag:s29], $0x1  }
0xb6: {  	[sflag:s29] =	ssyncadd.s32 $0xFFFFFFFF  }
0xb7: {  	_ =	strace $0x90000048  }
0xb8: {  	_ =	sfence  }
0xb9: {  	s30 =	sld [smem:$0x0];
	_ =	sdelay $0x2  }
0xba: {  	s31 =	sshll.u32 s1, $0xD;
	s1 =	sshrl.u32 s1, $0x2  }
0xbb: {  	s3 =	sand.u32 $0x4000, s31;
	s1 =	sadd.s32 s1, s30  }
0xbc: {  	s0 =	sor.u32 s3, s0;
	s1 =	sshll.u32 s1, $0x11  }
0xbd: {  	s0 =	sor.u32 s1, s0  }
0xbe: {  	s0 =	sadd.s32 $0x8F2B, s0  }
0xbf: {  	[sflag:s0] =	ssyncadd.remote.s32 $0x1  }
0xc0: {  	_ =	sfence.sel $0xFFFF  }
0xc1: {  	[dreg:$0x0] =	wrdreg $0xFFFFFFFF;
	(pc) =	sbr.abs _section_cstart, $3  }
0xc2: {  	[dreg:$0x1] =	wrdreg $0xFFFFFFFF  }
0xc3: {  	_ =	task.clear_ibuf [dreg:s8], $0x2FFFF;
	_ =	strace $0x9FFFFFFF  }
0xc4: {  	(tm) =	ssettm $0x7FFFFFFF  }
0xc5: {  	_ =	shalt  }
tec
execute0_lowered:
.L_overlay_start_1:
0x0: {  	(tag) =	ssettag $0x1  }
0x1: {  	s5 =	rddreg [dreg:$0x0]  }
0x2: {  	s4 =	rddreg [dreg:$0x1]  }
0x3: {  	s6 =	rddreg [dreg:$0x2]  }
0x4: {  	s0 =	rddreg [dreg:$0x3]  }
0x5: {  	s2 =	simm.s32 $0x0;
	s3 =	srdreg.scid;
	s1 =	stileid.u32  }
0x6: {  	s11 =	simm.s32 $0x200;
	s12 =	simm.s32 $0x280;
	s13 =	simm.s32 $0x100  }
0x7: {  	s14 =	simm.s32 $0x300;
	s15 =	simm.s32 $0x180;
	s16 =	simm.s32 $0x380  }
0x8: {  	s17 =	simm.s32 $0x1;
	[smem:$0x7FF] =	sst s2;
	s3 =	sand.u32 $0x1, s3  }
0x9: {  	s8 =	sshll.u32 s1, $0x7;
	_ =	strace $0x80000047;
	s7 =	ssub.s32 $0x2, s3  }
0xa: {  	s9 =	sshll.u32 s3, $0x6;
	s3 =	sadd.s32 $0x1F000, s4;
	s4 =	sadd.s32 $0x600, s4  }
0xb: {  	s10 =	sshrl.u32 s7, $0x1;
	s8 =	sor.u32 s9, s8;
	s9 =	simm.s32 $0x400  }
0xc: {  	s7 =	ssub.s32 s7, s10;
	s5 =	sadd.s32 s5, s8;
	s6 =	sadd.s32 s6, s8  }
0xd: {  	s8 =	simm.s32 $0x2;
	s10 =	simm.s32 $0x80;
	s7 =	smax.u32 s7, $0x1  }
.LBB2_1:
0xe: {  	[tilespmem:s2], [sflag:$0x2] =	stream.linear.gather [hbm4b:s5+s2], $0x200, $0x38;
	[tilespmem:$0x410] =	vst v63  }
0xf: {  	_ =	swait.ge [sflag:s8], $0x200  }
0x10: {  	[sflag:s8] =	ssyncset.done $0x0  }
0x11: {  	[sflag:s8] =	ssyncadd.s32 $0xFFFFFE00  }
0x12: {  	[tilespmem:s9], [sflag:$0x2] =	stream.linear.gather [hbm4b:s3+s2], $0x10, $0x38;
	[tilespmem:$0x410] =	vst v63  }
0x13: {  	_ =	swait.ge [sflag:s8], $0x10  }
0x14: {  	[sflag:s8] =	ssyncset.done $0x0  }
0x15: {  	[sflag:s8] =	ssyncadd.s32 $0xFFFFFFF0  }
0x16: {  	[tilespmem:s11], [sflag:$0x1] =	stream.indirect.gather [hbm4b:s4+s10], $0x1, s2, s10, $0xb8;
	[tilespmem:$0x410] =	vst v63  }
0x17: {  	_ = 	snop  }
0x18: {  	[tilespmem:s12], [sflag:$0x1] =	stream.indirect.gather [hbm4b:s4+s10], $0x1, s10, s10, $0xb8;
	[tilespmem:$0x410] =	vst v63  }
0x19: {  	_ = 	snop  }
0x1a: {  	[tilespmem:s14], [sflag:$0x1] =	stream.indirect.gather [hbm4b:s4+s10], $0x1, s13, s10, $0xb8;
	[tilespmem:$0x410] =	vst v63  }
0x1b: {  	_ = 	snop  }
0x1c: {  	[tilespmem:s16], [sflag:$0x1] =	stream.indirect.gather [hbm4b:s4+s10], $0x1, s15, s10, $0xb8;
	[tilespmem:$0x410] =	vst v63  }
0x1d: {  	_ =	swait.ge [sflag:s17], $0x80  }
0x1e: {  	[sflag:s17] =	ssyncset.done $0x0  }
0x1f: {  	[sflag:s17] =	ssyncadd.s32 $0xFFFFFF80  }
0x20: {  	_ =	swait.ge [sflag:s17], $0x80  }
0x21: {  	[sflag:s17] =	ssyncset.done $0x0  }
0x22: {  	[sflag:s17] =	ssyncadd.s32 $0xFFFFFF80  }
0x23: {  	_ =	swait.ge [sflag:s17], $0x80  }
0x24: {  	[sflag:s17] =	ssyncset.done $0x0  }
0x25: {  	[sflag:s17] =	ssyncadd.s32 $0xFFFFFF80  }
0x26: {  	_ =	swait.ge [sflag:s17], $0x80  }
0x27: {  	[sflag:s17] =	ssyncset.done $0x0  }
0x28: {  	[sflag:s17] =	ssyncadd.s32 $0xFFFFFF80  }
0x29: {  	v0 =	vld [tilespmem:$0x400]  }
0x2a: {  	v1 =	vld [tilespmem:$0x200]  }
0x2b: {  	v2 =	vld [tilespmem:$0x210]  }
0x2c: {  	v3 =	vld [tilespmem:$0x220]  }
0x2d: {  	v4 =	vld [tilespmem:$0x230]  }
0x2e: {  	v5 =	vld [tilespmem:$0x240]  }
0x2f: {  	v6 =	vld [tilespmem:$0x250];
	v1 =	vadd.f32 v1, v0  }
0x30: {  	v7 =	vld [tilespmem:$0x260];
	v2 =	vadd.f32 v2, v0  }
0x31: {  	v11 =	vld [tilespmem:$0x270];
	v10 =	vadd.f32 v3, v0;
	[tilespmem:$0x200] =	vst v1  }
0x32: {  	v13 =	vld [tilespmem:$0x280];
	v12 =	vadd.f32 v4, v0;
	[tilespmem:$0x210] =	vst v2  }
0x33: {  	v15 =	vld [tilespmem:$0x290];
	v14 =	vadd.f32 v5, v0;
	[tilespmem:$0x220] =	vst v10  }
0x34: {  	v17 =	vld [tilespmem:$0x2A0];
	v16 =	vadd.f32 v6, v0;
	[tilespmem:$0x230] =	vst v12  }
0x35: {  	v19 =	vld [tilespmem:$0x2B0];
	v18 =	vadd.f32 v7, v0;
	[tilespmem:$0x240] =	vst v14  }
0x36: {  	v21 =	vld [tilespmem:$0x2C0];
	v20 =	vadd.f32 v11, v0;
	[tilespmem:$0x250] =	vst v16  }
0x37: {  	v23 =	vld [tilespmem:$0x2D0];
	v22 =	vadd.f32 v13, v0;
	[tilespmem:$0x260] =	vst v18  }
0x38: {  	v25 =	vld [tilespmem:$0x2E0];
	v24 =	vadd.f32 v15, v0;
	[tilespmem:$0x270] =	vst v20  }
0x39: {  	v27 =	vld [tilespmem:$0x2F0];
	v26 =	vadd.f32 v17, v0;
	[tilespmem:$0x280] =	vst v22  }
0x3a: {  	v29 =	vld [tilespmem:$0x300];
	v28 =	vadd.f32 v19, v0;
	[tilespmem:$0x290] =	vst v24  }
0x3b: {  	v31 =	vld [tilespmem:$0x310];
	v30 =	vadd.f32 v21, v0;
	[tilespmem:$0x2A0] =	vst v26  }
0x3c: {  	v33 =	vld [tilespmem:$0x320];
	v32 =	vadd.f32 v23, v0;
	[tilespmem:$0x2B0] =	vst v28  }
0x3d: {  	v35 =	vld [tilespmem:$0x330];
	v34 =	vadd.f32 v25, v0;
	[tilespmem:$0x2C0] =	vst v30  }
0x3e: {  	v37 =	vld [tilespmem:$0x340];
	v36 =	vadd.f32 v27, v0;
	[tilespmem:$0x2D0] =	vst v32  }
0x3f: {  	v39 =	vld [tilespmem:$0x350];
	v38 =	vadd.f32 v29, v0;
	[tilespmem:$0x2E0] =	vst v34  }
0x40: {  	v41 =	vld [tilespmem:$0x360];
	v40 =	vadd.f32 v31, v0;
	[tilespmem:$0x2F0] =	vst v36  }
0x41: {  	v43 =	vld [tilespmem:$0x370];
	v42 =	vadd.f32 v33, v0;
	[tilespmem:$0x300] =	vst v38  }
0x42: {  	v45 =	vld [tilespmem:$0x380];
	v44 =	vadd.f32 v35, v0;
	[tilespmem:$0x310] =	vst v40  }
0x43: {  	v47 =	vld [tilespmem:$0x390];
	v46 =	vadd.f32 v37, v0;
	[tilespmem:$0x320] =	vst v42  }
0x44: {  	v49 =	vld [tilespmem:$0x3A0];
	v48 =	vadd.f32 v39, v0;
	[tilespmem:$0x330] =	vst v44  }
0x45: {  	v51 =	vld [tilespmem:$0x3B0];
	v50 =	vadd.f32 v41, v0;
	[tilespmem:$0x340] =	vst v46  }
0x46: {  	v53 =	vld [tilespmem:$0x3C0];
	v52 =	vadd.f32 v43, v0;
	[tilespmem:$0x350] =	vst v48  }
0x47: {  	v55 =	vld [tilespmem:$0x3D0];
	v54 =	vadd.f32 v45, v0;
	[tilespmem:$0x360] =	vst v50  }
0x48: {  	v57 =	vld [tilespmem:$0x3E0];
	v56 =	vadd.f32 v47, v0;
	[tilespmem:$0x370] =	vst v52  }
0x49: {  	v59 =	vld [tilespmem:$0x3F0];
	v58 =	vadd.f32 v49, v0;
	[tilespmem:$0x380] =	vst v54  }
0x4a: {  	v60 =	vadd.f32 v51, v0;
	[tilespmem:$0x390] =	vst v56  }
0x4b: {  	v61 =	vadd.f32 v53, v0;
	[tilespmem:$0x3A0] =	vst v58  }
0x4c: {  	v62 =	vadd.f32 v55, v0;
	[tilespmem:$0x3B0] =	vst v60  }
0x4d: {  	v63 =	vadd.f32 v57, v0;
	[tilespmem:$0x3C0] =	vst v61  }
0x4e: {  	v0 =	vadd.f32 v59, v0;
	[tilespmem:$0x3D0] =	vst v62  }
0x4f: {  	p0 =	sne.s32 s7, $0x1;
	[tilespmem:$0x3E0] =	vst v63  }
.Ltmp0:
0x50: {  	[tilespmem:$0x3F0] =	vst v0;
	(pc) =	sbr.rel @p0 .LBB2_1-.Ltmp0, $4  }
0x51: {  	[hbm4b:s6+s2] =	stream.linear.scatter [tilespmem:s11], [sflag:$0x2], $0x200, $0x38;
	[tilespmem:$0x410] =	vst v63  }
0x52: {  	_ =	swait.ge [sflag:s8], $0x200  }
0x53: {  	[sflag:s8] =	ssyncset.done $0x0  }
0x54: {  	s7 =	sadd.s32 $0xFFFFFFFF, s7;
	[sflag:s8] =	ssyncadd.s32 $0xFFFFFE00  }
0x55: {  	_ =	sfence.sel $0x180000  }
0x56: {  	[bflag:$0x0] =	sbarrier.arrive $0xFFFF  }
0x57: {  	p0 =	sne.s32 s1, $0x0;
	_ =	strace $0x90000047  }
0x58: {  	s0 =	sadd.s32 @!p0 $0x100000, s0;
	[bflag:$0x2] =	sbarrier.arrive $0xFFFF  }
0x59: {  	[sflag:s0] =	ssyncadd.tile.s32 @!p0 $0x1;
	_ =	shalt  }
.Lfunc_end2:
_tile_overlayer_lowered:
.L_overlay_start_2:
0x5a: {  	(tag) =	ssettag $0x2  }
0x5b: {  	s0 =	rddreg [dreg:$0x0];
	s2 =	stileid.u32  }
0x5c: {  	s1 =	rddreg [dreg:$0x1];
	p0 =	sne.s32 s2, $0x0  }
0x5d: {  	s3 =	rddreg [dreg:$0x2];
	[bflag:$0x3] =	sbarrier.arrive $0xFFFF;
	s2 =	simm.s32 @!p0 $0x1C02  }
0x5e: {  	[timem:s3], [sflag:s2] =	dma.local @!p0 [hbm:s0], s1  }
0x5f: {  	s0 =	simm.s32 @!p0 $0x2  }
0x60: {  	_ =	swait.ge @!p0 [sflag:s0], s1  }
0x61: {  	s1 =	ssub.s32 @!p0 $0x0, s1;
	[sflag:s0] =	ssyncset.done @!p0 $0x0  }
0x62: {  	[sflag:s0] =	ssyncadd.s32 @!p0 s1  }
0x63: {  	[bflag:$0x3] =	sbarrier.arrive $0xFFFF  }
0x64: {  	_ =	shalt  }

</sc_bundles>
